<compile_context>
chip_gen: v7x
topology: tpu7x:2x2x1
jax: 0.10.2.dev20260603
libtpu: 0.0.44.dev20260713+nightly
codegen_flags: <defaults>
</compile_context>

<pallas_src>
import functools

import jax
import jax.numpy as jnp
from jax import lax
from jax.experimental import pallas as pl
from jax.experimental.pallas import tpu as pltpu
from jax.experimental.pallas import tpu_sc as plsc

_HIDDEN = 768
_MAX_POS = 512
_BATCH = 10
_B = _BATCH * _MAX_POS
_NC, _NS = 2, 16
_NW = _NC * _NS
_ROWS_W = _B // _NW
_TOK_BLK = 1024


def _sc_gather(word_table, flat_idx):
    mesh = plsc.VectorSubcoreMesh(core_axis_name="c", subcore_axis_name="s")

    @functools.partial(
        pl.kernel,
        mesh=mesh,
        out_type=jax.ShapeDtypeStruct((_B, _HIDDEN), jnp.float32),
        scratch_types=[
            pltpu.VMEM((_ROWS_W,), jnp.int32),
            pltpu.VMEM((_ROWS_W, _HIDDEN), jnp.float32),
            pltpu.SemaphoreType.DMA,
        ],
    )
    def gather_kernel(table_hbm, idx_hbm, out_hbm, idx_v, rows_v, sem):
        wid = lax.axis_index("s") * _NC + lax.axis_index("c")
        base = wid * _ROWS_W
        pltpu.sync_copy(idx_hbm.at[pl.ds(base, _ROWS_W)], idx_v)
        pltpu.async_copy(table_hbm.at[idx_v], rows_v, sem).wait()
        pltpu.sync_copy(rows_v, out_hbm.at[pl.ds(base, _ROWS_W)])

    return gather_kernel(word_table, flat_idx)


def _tc_body(word_ref, pos_ref, seg_ref, type_ref, gam_ref, bet_ref, out_ref):
    pos = pos_ref[...]
    t0 = type_ref[0, :][None, :]
    t1 = type_ref[1, :][None, :]
    gam = gam_ref[0, :][None, :]
    bet = bet_ref[0, :][None, :]
    seg_all = seg_ref[0].astype(jnp.float32)
    for k in range(_TOK_BLK // _MAX_POS):
        x = word_ref[pl.ds(k * _MAX_POS, _MAX_POS), :] + pos
        seg_row = seg_all[:, k * _MAX_POS:(k + 1) * _MAX_POS]
        seg_sq = jnp.broadcast_to(seg_row, (128, _MAX_POS))
        segc = seg_sq.T[:, 0:1]
        x = x + (t0 + segc * (t1 - t0))
        mean = jnp.mean(x, axis=1, keepdims=True)
        xc = x - mean
        var = jnp.mean(xc * xc, axis=1, keepdims=True)
        y = xc * lax.rsqrt(var + 1e-5)
        out_ref[k] = y * gam + bet


def _tc_finish(gathered, seg3, pos_table, type_table, gamma2, beta2):
    return pl.pallas_call(
        _tc_body,
        grid=(_B // _TOK_BLK,),
        in_specs=[
            pl.BlockSpec((_TOK_BLK, _HIDDEN), lambda i: (i, 0)),
            pl.BlockSpec((_MAX_POS, _HIDDEN), lambda i: (0, 0)),
            pl.BlockSpec((1, 1, _TOK_BLK), lambda i: (i, 0, 0)),
            pl.BlockSpec((2, _HIDDEN), lambda i: (0, 0)),
            pl.BlockSpec((1, _HIDDEN), lambda i: (0, 0)),
            pl.BlockSpec((1, _HIDDEN), lambda i: (0, 0)),
        ],
        out_specs=pl.BlockSpec((_TOK_BLK // _MAX_POS, _MAX_POS, _HIDDEN),
                               lambda i: (i, 0, 0)),
        out_shape=jax.ShapeDtypeStruct((_BATCH, _MAX_POS, _HIDDEN),
                                       jnp.float32),
    )(gathered, pos_table, seg3, type_table, gamma2, beta2)


def kernel(batch_idx, batch_seg_idx, word_table, pos_table, type_table,
           ln_gamma, ln_beta):
    gathered = _sc_gather(word_table, batch_idx.reshape(-1).astype(jnp.int32))
    seg = batch_seg_idx.reshape(_B // _TOK_BLK, 1, _TOK_BLK).astype(jnp.int32)
    gamma2 = ln_gamma.reshape(1, _HIDDEN)
    beta2 = ln_beta.reshape(1, _HIDDEN)
    return _tc_finish(gathered, seg, pos_table, type_table, gamma2, beta2)

# --- scband reference (transcript-rebuilt; emitter-appended) ---
"""Pipeline reference for scband-bert-embeddding-16844861735730 (READ-ONLY COPY).

The authoritative reference and input builder live on the scoring server;
editing this copy changes nothing except your own understanding.
"""

import jax, jax.numpy as jnp
import numpy as np

VOCAB = 30522
HIDDEN = 768
MAX_POS = 512
TYPE_VOCAB = 2
BATCH = 10

def setup_inputs(seed: int = 0) -> dict:
    key = jax.random.key(seed)
    k1, k2, k3, k4, k5 = jax.random.split(key, 5)
    batch_idx = jax.random.randint(k1, (BATCH, MAX_POS), 0, VOCAB, dtype=jnp.int64 if jax.config.jax_enable_x64 else jnp.int32)
    batch_seg_idx = jax.random.randint(k2, (BATCH, MAX_POS), 0, TYPE_VOCAB, dtype=jnp.int64 if jax.config.jax_enable_x64 else jnp.int32)
    word_table = jax.random.normal(k3, (VOCAB, HIDDEN), dtype=jnp.float32) * 0.02
    pos_table = jax.random.normal(k4, (MAX_POS, HIDDEN), dtype=jnp.float32) * 0.02
    type_table = jax.random.normal(k5, (TYPE_VOCAB, HIDDEN), dtype=jnp.float32) * 0.02
    ln_gamma = jnp.ones((HIDDEN,), dtype=jnp.float32)
    ln_beta = jnp.zeros((HIDDEN,), dtype=jnp.float32)
    return {"batch_idx": batch_idx, "batch_seg_idx": batch_seg_idx,
            "word_table": word_table, "pos_table": pos_table,
            "type_table": type_table, "ln_gamma": ln_gamma, "ln_beta": ln_beta}

def _layer_norm(x, gamma, beta, eps=1e-5):
    mean = jnp.mean(x, axis=-1, keepdims=True)
    var = jnp.mean(jnp.square(x - mean), axis=-1, keepdims=True)
    return (x - mean) / jnp.sqrt(var + eps) * gamma + beta

def reference(batch_idx, batch_seg_idx, word_table, pos_table, type_table, ln_gamma, ln_beta):
    word_emb = jnp.take(word_table, batch_idx, axis=0)
    pos_idx = jnp.tile(jnp.arange(pos_table.shape[0])[None, :], (10, 1))
    pos_emb = jnp.take(pos_table, pos_idx, axis=0)
    token_emb = jnp.take(type_table, batch_seg_idx, axis=0)
    emb = word_emb + pos_emb + token_emb
    emb = _layer_norm(emb, ln_gamma, ln_beta)
    # dropout is identity at inference
    return emb

if __name__ == "__main__":
    import jax
    _d = setup_inputs()
    print(jax.jit(kernel)(*tuple(_d.values())))

</pallas_src>

<mosaic_0001>
#map = affine_map<(d0, d1) -> (0, 0)>
#map1 = affine_map<(d0, d1) -> (0)>
module attributes {stable_mosaic.version = 14 : i64} {
  func.func @gather_kernel(%arg0: i32, %arg1: i32, %arg2: memref<30522x768xf32, #tpu.memory_space<hbm>>, %arg3: memref<5120xi32, #tpu.memory_space<hbm>>, %arg4: memref<5120x768xf32, #tpu.memory_space<hbm>>, %arg5: memref<160xi32, #tpu.memory_space<vmem>>, %arg6: memref<160x768xf32, #tpu.memory_space<vmem>>, %arg7: memref<!tpu.dma_semaphore, #tpu.memory_space<semaphore_mem>>) attributes {dimension_semantics = [#tpu.dimension_semantics<core_parallel>, #tpu.dimension_semantics<subcore_parallel>], iteration_bounds = array<i64: 2, 16>, scalar_prefetch = 0 : i64, scratch_operands = 3 : i64, tpu.core_type = #tpu.core_type<sc_vector_subcore>, window_params = [{transform_indices = #map}, {transform_indices = #map1}, {transform_indices = #map}]} {
    %mul3A = arith.constant 2 : i32
    %mul3A_0 = arith.muli %arg1, %mul3A : i32
    %add3A = arith.addi %mul3A_0, %arg0 : i32
    %mul3A_1 = arith.constant 160 : i32
    %mul3A_2 = arith.muli %add3A, %mul3A_1 : i32
    "tpu.region"() ({
      %run_scoped3A = tpu.sem_alloc : memref<!tpu.dma_semaphore, #tpu.memory_space<semaphore_mem>>
      %dma_start3A_7 = tpu.memref_slice %arg3[%mul3A_2] : memref<5120xi32, #tpu.memory_space<hbm>> -> memref<160xi32, #tpu.memory_space<hbm>>
      %dma_start3A_8 = tpu.memref_slice %arg3[%mul3A_2] : memref<5120xi32, #tpu.memory_space<hbm>> -> memref<160xi32, #tpu.memory_space<hbm>>
      tpu.enqueue_dma source(%dma_start3A_8 : memref<160xi32, #tpu.memory_space<hbm>>) target(%arg5 : memref<160xi32, #tpu.memory_space<vmem>>) target_semaphore(%run_scoped3A : memref<!tpu.dma_semaphore, #tpu.memory_space<semaphore_mem>>)
      %dma_wait3A_9 = tpu.memref_slice %arg3[%mul3A_2] : memref<5120xi32, #tpu.memory_space<hbm>> -> memref<160xi32, #tpu.memory_space<hbm>>
      %dma_wait3A_10 = tpu.memref_slice %arg3[%mul3A_2] : memref<5120xi32, #tpu.memory_space<hbm>> -> memref<160xi32, #tpu.memory_space<hbm>>
      tpu.wait_dma2 semaphore(%run_scoped3A : memref<!tpu.dma_semaphore, #tpu.memory_space<semaphore_mem>>) src(%dma_wait3A_10 : memref<160xi32, #tpu.memory_space<hbm>>) dst(%arg5 : memref<160xi32, #tpu.memory_space<vmem>>)
      tpu.yield
    }) : () -> ()
    %dma_start3A = arith.constant 0 : i32
    %dma_start3A_3 = arith.constant 0 : i32
    %dma_start3A_4 = tpu.memref_slice %arg2[%dma_start3A, %dma_start3A_3] : memref<30522x768xf32, #tpu.memory_space<hbm>> -> memref<30522x768xf32, #tpu.memory_space<hbm>>
    tpu.enqueue_indirect_dma source(%dma_start3A_4 : memref<30522x768xf32, #tpu.memory_space<hbm>>) target(%arg6 : memref<160x768xf32, #tpu.memory_space<vmem>>) offsets(%arg5 : memref<160xi32, #tpu.memory_space<vmem>>) semaphore(%arg7 : memref<!tpu.dma_semaphore, #tpu.memory_space<semaphore_mem>>)
    %dma_wait3A = arith.constant 0 : i32
    %dma_wait3A_5 = arith.constant 0 : i32
    %dma_wait3A_6 = tpu.memref_slice %arg2[%dma_wait3A, %dma_wait3A_5] : memref<30522x768xf32, #tpu.memory_space<hbm>> -> memref<30522x768xf32, #tpu.memory_space<hbm>>
    tpu.wait_indirect_dma semaphore(%arg7 : memref<!tpu.dma_semaphore, #tpu.memory_space<semaphore_mem>>) src(%dma_wait3A_6 : memref<30522x768xf32, #tpu.memory_space<hbm>>) dst(%arg6 : memref<160x768xf32, #tpu.memory_space<vmem>>)
    "tpu.region"() ({
      %run_scoped3A = tpu.sem_alloc : memref<!tpu.dma_semaphore, #tpu.memory_space<semaphore_mem>>
      %dma_start3A_7 = arith.constant 0 : i32
      %dma_start3A_8 = tpu.memref_slice %arg4[%mul3A_2, %dma_start3A_7] : memref<5120x768xf32, #tpu.memory_space<hbm>> -> memref<160x768xf32, #tpu.memory_space<hbm>>
      %dma_start3A_9 = arith.constant 0 : i32
      %dma_start3A_10 = tpu.memref_slice %arg4[%mul3A_2, %dma_start3A_9] : memref<5120x768xf32, #tpu.memory_space<hbm>> -> memref<160x768xf32, #tpu.memory_space<hbm>>
      tpu.enqueue_dma source(%arg6 : memref<160x768xf32, #tpu.memory_space<vmem>>) target(%dma_start3A_10 : memref<160x768xf32, #tpu.memory_space<hbm>>) target_semaphore(%run_scoped3A : memref<!tpu.dma_semaphore, #tpu.memory_space<semaphore_mem>>)
      %dma_wait3A_11 = arith.constant 0 : i32
      %dma_wait3A_12 = tpu.memref_slice %arg4[%mul3A_2, %dma_wait3A_11] : memref<5120x768xf32, #tpu.memory_space<hbm>> -> memref<160x768xf32, #tpu.memory_space<hbm>>
      %dma_wait3A_13 = arith.constant 0 : i32
      %dma_wait3A_14 = tpu.memref_slice %arg4[%mul3A_2, %dma_wait3A_13] : memref<5120x768xf32, #tpu.memory_space<hbm>> -> memref<160x768xf32, #tpu.memory_space<hbm>>
      tpu.wait_dma2 semaphore(%run_scoped3A : memref<!tpu.dma_semaphore, #tpu.memory_space<semaphore_mem>>) src(%arg6 : memref<160x768xf32, #tpu.memory_space<vmem>>) dst(%dma_wait3A_14 : memref<160x768xf32, #tpu.memory_space<hbm>>)
      tpu.yield
    }) : () -> ()
    return
  }
}

module attributes {stable_mosaic.version = 14 : i64} {
  func.func @_tc_body(%arg0: i32, %arg1: memref<1024x768xf32, #tpu.memory_space<vmem>>, %arg2: memref<512x768xf32, #tpu.memory_space<vmem>>, %arg3: memref<1x1x1024xi32, #tpu.memory_space<vmem>>, %arg4: memref<2x768xf32, #tpu.memory_space<vmem>>, %arg5: memref<1x768xf32, #tpu.memory_space<vmem>>, %arg6: memref<1x768xf32, #tpu.memory_space<vmem>>, %arg7: memref<2x512x768xf32, #tpu.memory_space<vmem>>) attributes {dimension_semantics = [#tpu.dimension_semantics<arbitrary>], iteration_bounds = array<i64: 5>, scalar_prefetch = 0 : i64, scratch_operands = 0 : i64, tpu.core_type = #tpu.core_type<tc>, window_params = [{transform_indices = @transform_0, window_bounds = array<i64: 1024, 768>}, {pipeline_mode = #tpu.pipeline_mode<synchronous>, transform_indices = @transform_1, window_bounds = array<i64: 512, 768>}, {transform_indices = @transform_2, window_bounds = array<i64: 1, 1, 1024>}, {pipeline_mode = #tpu.pipeline_mode<synchronous>, transform_indices = @transform_3, window_bounds = array<i64: 2, 768>}, {pipeline_mode = #tpu.pipeline_mode<synchronous>, transform_indices = @transform_4, window_bounds = array<i64: 1, 768>}, {pipeline_mode = #tpu.pipeline_mode<synchronous>, transform_indices = @transform_5, window_bounds = array<i64: 1, 768>}, {transform_indices = @transform_6, window_bounds = array<i64: 2, 512, 768>}]} {
    %get3A = arith.constant 0 : index
    %get3A_0 = arith.constant 0 : index
    %get3A_1 = vector.load %arg2[%get3A, %get3A_0] : memref<512x768xf32, #tpu.memory_space<vmem>>, vector<512x768xf32>
    %get3A_2 = arith.constant 0 : index
    %get3A_3 = arith.constant 0 : index
    %get3A_4 = vector.load %arg4[%get3A_2, %get3A_3] : memref<2x768xf32, #tpu.memory_space<vmem>>, vector<1x768xf32>
    %get3A_5 = vector.shape_cast %get3A_4 : vector<1x768xf32> to vector<768xf32>
    %broadcast_in_dim3A = vector.shape_cast %get3A_5 : vector<768xf32> to vector<1x768xf32>
    %get3A_6 = arith.constant 1 : index
    %get3A_7 = arith.constant 0 : index
    %get3A_8 = vector.load %arg4[%get3A_6, %get3A_7] : memref<2x768xf32, #tpu.memory_space<vmem>>, vector<1x768xf32>
    %get3A_9 = vector.shape_cast %get3A_8 : vector<1x768xf32> to vector<768xf32>
    %broadcast_in_dim3A_10 = vector.shape_cast %get3A_9 : vector<768xf32> to vector<1x768xf32>
    %get3A_11 = arith.constant 0 : index
    %get3A_12 = arith.constant 0 : index
    %get3A_13 = vector.load %arg5[%get3A_11, %get3A_12] : memref<1x768xf32, #tpu.memory_space<vmem>>, vector<1x768xf32>
    %get3A_14 = vector.shape_cast %get3A_13 : vector<1x768xf32> to vector<768xf32>
    %broadcast_in_dim3A_15 = vector.shape_cast %get3A_14 : vector<768xf32> to vector<1x768xf32>
    %get3A_16 = arith.constant 0 : index
    %get3A_17 = arith.constant 0 : index
    %get3A_18 = vector.load %arg6[%get3A_16, %get3A_17] : memref<1x768xf32, #tpu.memory_space<vmem>>, vector<1x768xf32>
    %get3A_19 = vector.shape_cast %get3A_18 : vector<1x768xf32> to vector<768xf32>
    %broadcast_in_dim3A_20 = vector.shape_cast %get3A_19 : vector<768xf32> to vector<1x768xf32>
    %get3A_21 = arith.constant 0 : index
    %get3A_22 = arith.constant 0 : index
    %get3A_23 = arith.constant 0 : index
    %get3A_24 = vector.load %arg3[%get3A_21, %get3A_22, %get3A_23] : memref<1x1x1024xi32, #tpu.memory_space<vmem>>, vector<1x1x1024xi32>
    %get3A_25 = vector.shape_cast %get3A_24 : vector<1x1x1024xi32> to vector<1x1024xi32>
    %convert_element_type3A = arith.sitofp %get3A_25 : vector<1x1024xi32> to vector<1x1024xf32>
    %get3A_26 = arith.constant 0 : index
    %get3A_27 = arith.constant 0 : index
    %get3A_28 = vector.load %arg1[%get3A_26, %get3A_27] : memref<1024x768xf32, #tpu.memory_space<vmem>>, vector<512x768xf32>
    %add3A = arith.addf %get3A_28, %get3A_1 : vector<512x768xf32>
    %slice3A = vector.extract_strided_slice %convert_element_type3A {offsets = [0, 0], sizes = [1, 512], strides = [1, 1]} : vector<1x1024xf32> to vector<1x512xf32>
    %broadcast_in_dim3A_29 = vector.shape_cast %slice3A : vector<1x512xf32> to vector<1x512xf32>
    %broadcast_in_dim3A_30 = vector.broadcast %broadcast_in_dim3A_29 : vector<1x512xf32> to vector<128x512xf32>
    %transpose3A = tpu.transpose %broadcast_in_dim3A_30, [1, 0] : vector<128x512xf32> -> vector<512x128xf32>
    %slice3A_31 = vector.extract_strided_slice %transpose3A {offsets = [0, 0], sizes = [512, 1], strides = [1, 1]} : vector<512x128xf32> to vector<512x1xf32>
    %sub3A = arith.subf %broadcast_in_dim3A_10, %broadcast_in_dim3A : vector<1x768xf32>
    %mul3A = vector.broadcast %slice3A_31 : vector<512x1xf32> to vector<512x768xf32>
    %mul3A_32 = vector.broadcast %sub3A : vector<1x768xf32> to vector<512x768xf32>
    %mul3A_33 = arith.mulf %mul3A, %mul3A_32 : vector<512x768xf32>
    %add3A_34 = vector.broadcast %broadcast_in_dim3A : vector<1x768xf32> to vector<512x768xf32>
    %add3A_35 = arith.addf %add3A_34, %mul3A_33 : vector<512x768xf32>
    %add3A_36 = arith.addf %add3A, %add3A_35 : vector<512x768xf32>
    %reduce_sum3A = arith.constant dense<0.000000e+00> : vector<512xf32>
    %reduce_sum3A_37 = vector.multi_reduction <add>, %add3A_36, %reduce_sum3A [1] : vector<512x768xf32> to vector<512xf32>
    %broadcast_in_dim3A_38 = vector.shape_cast %reduce_sum3A_37 : vector<512xf32> to vector<512x1xf32>
    %div3A = arith.constant 7.680000e+02 : f32
    %div3A_39 = vector.broadcast %div3A : f32 to vector<512x1xf32>
    %div3A_40 = arith.divf %broadcast_in_dim3A_38, %div3A_39 : vector<512x1xf32>
    %sub3A_41 = vector.broadcast %div3A_40 : vector<512x1xf32> to vector<512x768xf32>
    %sub3A_42 = arith.subf %add3A_36, %sub3A_41 : vector<512x768xf32>
    %mul3A_43 = arith.mulf %sub3A_42, %sub3A_42 : vector<512x768xf32>
    %reduce_sum3A_44 = arith.constant dense<0.000000e+00> : vector<512xf32>
    %reduce_sum3A_45 = vector.multi_reduction <add>, %mul3A_43, %reduce_sum3A_44 [1] : vector<512x768xf32> to vector<512xf32>
    %broadcast_in_dim3A_46 = vector.shape_cast %reduce_sum3A_45 : vector<512xf32> to vector<512x1xf32>
    %div3A_47 = arith.constant 7.680000e+02 : f32
    %div3A_48 = vector.broadcast %div3A_47 : f32 to vector<512x1xf32>
    %div3A_49 = arith.divf %broadcast_in_dim3A_46, %div3A_48 : vector<512x1xf32>
    %add3A_50 = arith.constant 9.99999974E-6 : f32
    %add3A_51 = vector.broadcast %add3A_50 : f32 to vector<512x1xf32>
    %add3A_52 = arith.addf %div3A_49, %add3A_51 : vector<512x1xf32>
    %rsqrt3A = math.rsqrt %add3A_52 : vector<512x1xf32>
    %mul3A_53 = vector.broadcast %rsqrt3A : vector<512x1xf32> to vector<512x768xf32>
    %mul3A_54 = arith.mulf %sub3A_42, %mul3A_53 : vector<512x768xf32>
    %mul3A_55 = vector.broadcast %broadcast_in_dim3A_15 : vector<1x768xf32> to vector<512x768xf32>
    %mul3A_56 = arith.mulf %mul3A_54, %mul3A_55 : vector<512x768xf32>
    %add3A_57 = vector.broadcast %broadcast_in_dim3A_20 : vector<1x768xf32> to vector<512x768xf32>
    %add3A_58 = arith.addf %mul3A_56, %add3A_57 : vector<512x768xf32>
    %swap3A = arith.constant 0 : index
    %swap3A_59 = arith.constant 0 : index
    %swap3A_60 = arith.constant 0 : index
    %swap3A_61 = vector.load %arg7[%swap3A, %swap3A_59, %swap3A_60] : memref<2x512x768xf32, #tpu.memory_space<vmem>>, vector<1x512x768xf32>
    %swap3A_62 = vector.shape_cast %swap3A_61 : vector<1x512x768xf32> to vector<512x768xf32>
    %swap3A_63 = vector.shape_cast %add3A_58 : vector<512x768xf32> to vector<1x512x768xf32>
    tpu.vector_store %arg7[%swap3A, %swap3A_59, %swap3A_60], %swap3A_63 {strides = array<i32>} : memref<2x512x768xf32, #tpu.memory_space<vmem>>, vector<1x512x768xf32>,
    %get3A_64 = arith.constant 512 : index
    %get3A_65 = arith.constant 0 : index
    %get3A_66 = vector.load %arg1[%get3A_64, %get3A_65] : memref<1024x768xf32, #tpu.memory_space<vmem>>, vector<512x768xf32>
    %add3A_67 = arith.addf %get3A_66, %get3A_1 : vector<512x768xf32>
    %slice3A_68 = vector.extract_strided_slice %convert_element_type3A {offsets = [0, 512], sizes = [1, 512], strides = [1, 1]} : vector<1x1024xf32> to vector<1x512xf32>
    %broadcast_in_dim3A_69 = vector.shape_cast %slice3A_68 : vector<1x512xf32> to vector<1x512xf32>
    %broadcast_in_dim3A_70 = vector.broadcast %broadcast_in_dim3A_69 : vector<1x512xf32> to vector<128x512xf32>
    %transpose3A_71 = tpu.transpose %broadcast_in_dim3A_70, [1, 0] : vector<128x512xf32> -> vector<512x128xf32>
    %slice3A_72 = vector.extract_strided_slice %transpose3A_71 {offsets = [0, 0], sizes = [512, 1], strides = [1, 1]} : vector<512x128xf32> to vector<512x1xf32>
    %sub3A_73 = arith.subf %broadcast_in_dim3A_10, %broadcast_in_dim3A : vector<1x768xf32>
    %mul3A_74 = vector.broadcast %slice3A_72 : vector<512x1xf32> to vector<512x768xf32>
    %mul3A_75 = vector.broadcast %sub3A_73 : vector<1x768xf32> to vector<512x768xf32>
    %mul3A_76 = arith.mulf %mul3A_74, %mul3A_75 : vector<512x768xf32>
    %add3A_77 = vector.broadcast %broadcast_in_dim3A : vector<1x768xf32> to vector<512x768xf32>
    %add3A_78 = arith.addf %add3A_77, %mul3A_76 : vector<512x768xf32>
    %add3A_79 = arith.addf %add3A_67, %add3A_78 : vector<512x768xf32>
    %reduce_sum3A_80 = arith.constant dense<0.000000e+00> : vector<512xf32>
    %reduce_sum3A_81 = vector.multi_reduction <add>, %add3A_79, %reduce_sum3A_80 [1] : vector<512x768xf32> to vector<512xf32>
    %broadcast_in_dim3A_82 = vector.shape_cast %reduce_sum3A_81 : vector<512xf32> to vector<512x1xf32>
    %div3A_83 = arith.constant 7.680000e+02 : f32
    %div3A_84 = vector.broadcast %div3A_83 : f32 to vector<512x1xf32>
    %div3A_85 = arith.divf %broadcast_in_dim3A_82, %div3A_84 : vector<512x1xf32>
    %sub3A_86 = vector.broadcast %div3A_85 : vector<512x1xf32> to vector<512x768xf32>
    %sub3A_87 = arith.subf %add3A_79, %sub3A_86 : vector<512x768xf32>
    %mul3A_88 = arith.mulf %sub3A_87, %sub3A_87 : vector<512x768xf32>
    %reduce_sum3A_89 = arith.constant dense<0.000000e+00> : vector<512xf32>
    %reduce_sum3A_90 = vector.multi_reduction <add>, %mul3A_88, %reduce_sum3A_89 [1] : vector<512x768xf32> to vector<512xf32>
    %broadcast_in_dim3A_91 = vector.shape_cast %reduce_sum3A_90 : vector<512xf32> to vector<512x1xf32>
    %div3A_92 = arith.constant 7.680000e+02 : f32
    %div3A_93 = vector.broadcast %div3A_92 : f32 to vector<512x1xf32>
    %div3A_94 = arith.divf %broadcast_in_dim3A_91, %div3A_93 : vector<512x1xf32>
    %add3A_95 = arith.constant 9.99999974E-6 : f32
    %add3A_96 = vector.broadcast %add3A_95 : f32 to vector<512x1xf32>
    %add3A_97 = arith.addf %div3A_94, %add3A_96 : vector<512x1xf32>
    %rsqrt3A_98 = math.rsqrt %add3A_97 : vector<512x1xf32>
    %mul3A_99 = vector.broadcast %rsqrt3A_98 : vector<512x1xf32> to vector<512x768xf32>
    %mul3A_100 = arith.mulf %sub3A_87, %mul3A_99 : vector<512x768xf32>
    %mul3A_101 = vector.broadcast %broadcast_in_dim3A_15 : vector<1x768xf32> to vector<512x768xf32>
    %mul3A_102 = arith.mulf %mul3A_100, %mul3A_101 : vector<512x768xf32>
    %add3A_103 = vector.broadcast %broadcast_in_dim3A_20 : vector<1x768xf32> to vector<512x768xf32>
    %add3A_104 = arith.addf %mul3A_102, %add3A_103 : vector<512x768xf32>
    %swap3A_105 = arith.constant 1 : index
    %swap3A_106 = arith.constant 0 : index
    %swap3A_107 = arith.constant 0 : index
    %swap3A_108 = vector.load %arg7[%swap3A_105, %swap3A_106, %swap3A_107] : memref<2x512x768xf32, #tpu.memory_space<vmem>>, vector<1x512x768xf32>
    %swap3A_109 = vector.shape_cast %swap3A_108 : vector<1x512x768xf32> to vector<512x768xf32>
    %swap3A_110 = vector.shape_cast %add3A_104 : vector<512x768xf32> to vector<1x512x768xf32>
    tpu.vector_store %arg7[%swap3A_105, %swap3A_106, %swap3A_107], %swap3A_110 {strides = array<i32>} : memref<2x512x768xf32, #tpu.memory_space<vmem>>, vector<1x512x768xf32>,
    return
  }
  func.func @transform_0(%arg0: i32) -> (i32, i32) {
    %c0_i32 = arith.constant 0 : i32
    %c0_i32_0 = arith.constant 0 : i32
    return %arg0, %c0_i32 : i32, i32
  }
  func.func @transform_1(%arg0: i32) -> (i32, i32) {
    %c0_i32 = arith.constant 0 : i32
    %c0_i32_0 = arith.constant 0 : i32
    %c0_i32_1 = arith.constant 0 : i32
    return %c0_i32, %c0_i32_0 : i32, i32
  }
  func.func @transform_2(%arg0: i32) -> (i32, i32, i32) {
    %c0_i32 = arith.constant 0 : i32
    %c0_i32_0 = arith.constant 0 : i32
    %c0_i32_1 = arith.constant 0 : i32
    return %arg0, %c0_i32, %c0_i32_0 : i32, i32, i32
  }
  func.func @transform_3(%arg0: i32) -> (i32, i32) {
    %c0_i32 = arith.constant 0 : i32
    %c0_i32_0 = arith.constant 0 : i32
    %c0_i32_1 = arith.constant 0 : i32
    return %c0_i32, %c0_i32_0 : i32, i32
  }
  func.func @transform_4(%arg0: i32) -> (i32, i32) {
    %c0_i32 = arith.constant 0 : i32
    %c0_i32_0 = arith.constant 0 : i32
    %c0_i32_1 = arith.constant 0 : i32
    return %c0_i32, %c0_i32_0 : i32, i32
  }
  func.func @transform_5(%arg0: i32) -> (i32, i32) {
    %c0_i32 = arith.constant 0 : i32
    %c0_i32_0 = arith.constant 0 : i32
    %c0_i32_1 = arith.constant 0 : i32
    return %c0_i32, %c0_i32_0 : i32, i32
  }
  func.func @transform_6(%arg0: i32) -> (i32, i32, i32) {
    %c0_i32 = arith.constant 0 : i32
    %c0_i32_0 = arith.constant 0 : i32
    %c0_i32_1 = arith.constant 0 : i32
    return %arg0, %c0_i32, %c0_i32_0 : i32, i32, i32
  }
}

</mosaic_0001>

<sc_bundles>
// kernel: kernel.4.cloned.1.call-start
scs
__scs_entry_jumppad:
0x0: {  	(pc) =	sbr.rel $0x88, $3  }
0x1: {  	(tag) =	ssettag $0x0;
	lr =	simm.s32 $0x1  }
0x2: {  	[smem:$0x3F9A] =	sst lr;
	_ =	strace $0xD0000000  }
0x3: {  	_ = 	snop  }
0x4: {  	_ = 	snop  }
0x5: {  	_ = 	snop  }
0x6: {  	_ = 	snop  }
0x7: {  	_ = 	snop  }
__scs_overlays_trampoline_lowered:
0x8: {  	[smem:$0x3FA9] =	sst s0  }
0x9: {  	[smem:$0x3FAA] =	sst s1  }
0xa: {  	[smem:$0x3FAB] =	sst s2  }
0xb: {  	[smem:$0x3FAC] =	sst s3  }
0xc: {  	[smem:$0x3FAD] =	sst s4  }
0xd: {  	[smem:$0x3FAE] =	sst s5  }
0xe: {  	[smem:$0x3FAF] =	sst s6  }
0xf: {  	[smem:$0x3FB0] =	sst s7  }
0x10: {  	[smem:$0x3FB1] =	sst s8  }
0x11: {  	[smem:$0x3FB2] =	sst s9;
	s0 =	simm.s32 @!p0 $0x0  }
0x12: {  	s1 =	sld [smem:$0x3F98];
	s0 =	simm.s32 @p0 $0x1  }
0x13: {  	[smem:$0x3FB3] =	sst s0;
	s0 =	simm.s32 @!p1 $0x0  }
0x14: {  	s2 =	sld [smem:$0x3F97];
	s0 =	simm.s32 @p1 $0x1  }
0x15: {  	[smem:$0x3FB4] =	sst s0;
	s0 =	simm.s32 @!p2 $0x0  }
0x16: {  	s3 =	sld [smem:$0x3FDB];
	s0 =	simm.s32 @p2 $0x1  }
0x17: {  	s4 =	simm.s32 $0x1BF5;
	[smem:$0x3FB6] =	sst s0  }
0x18: {  	s0 =	sld [smem:$0x3F99];
	_ =	swait.ge [sflag:s4], $0x0  }
0x19: {  	s7 =	sld [smem:$0x3F9A]  }
0x1a: {  	s8 =	sadd.s32 $0xFFFFE003, lr  }
0x1b: {  	s9 =	sadd.s32 $0xFFFFFEF7, lr;
	s5 =	simm.s32 $0xFFFFFFFF;
	p2 =	slt.u32 s8, $0xFFFFF086  }
0x1c: {  	p1 =	slt.u32 s9, $0xF7A;
	s5 =	simm.s32 @!p2 $0x0  }
0x1d: {  	s5 =	simm.s32 @p1 $0x1;
	p0 =	seq.s32 s7, s2  }
0x1e: {  	s7 =	smul.u32 @!p0 $0xF7A, s2;
	p2 =	seq.s32 @!p0 s5, $0x0  }
0x1f: {  	s9 =	smul.u32 $0xF7A, s1;
	s8 =	simm.s32 @!p0 $0x1BF5;
	p2 =	por !p2, p0  }
0x20: {  	[sflag:s8] =	ssyncset.s32 @!p0 $0xFFFFF086;
	s6 =	sadd.s32 @!p0 s3, s7;
	s7 =	simm.s32 @!p0 $0x108  }
0x21: {  	s3 =	sadd.s32 s3, s9;
	s6 =	sadd.s32 @!p0 $0x88, s6;
	s7 =	simm.s32 @p2 $0x1082  }
0x22: {  	[simem:s7], [sflag:s8] =	dma.local @!p0 [hbm:s6], $0xF7A  }
0x23: {  	s9 =	sor.u32 $0xD0000000, s2;
	s6 =	simm.s32 $0x108;
	_ =	swait.ge @!p0 [sflag:s8], $0x0  }
0x24: {  	s3 =	sadd.s32 $0x88, s3;
	s6 =	simm.s32 @!p1 $0x1082;
	[sflag:s4] =	ssyncset.s32 $0xFFFFF086  }
0x25: {  	[simem:s6], [sflag:s4] =	dma.local [hbm:s3], $0xF7A  }
0x26: {  	[smem:$0x3F9A] =	sst s1;
	(tag) =	ssettag s2;
	_ =	strace s9  }
0x27: {  	s1 =	sld [smem:$0x3FAA]  }
0x28: {  	s2 =	sld [smem:$0x3FAB]  }
0x29: {  	s4 =	sld [smem:$0x3FAD]  }
0x2a: {  	p0 =	seq.s32 s5, $0x0;
	s5 =	sld [smem:$0x3FAE]  }
0x2b: {  	s6 =	sld [smem:$0x3FAF]  }
0x2c: {  	s7 =	sld [smem:$0x3FB0]  }
0x2d: {  	s3 =	simm.s32 $0x108;
	s8 =	sld [smem:$0x3FB1]  }
0x2e: {  	s3 =	simm.s32 @!p0 $0x1082;
	s9 =	sld [smem:$0x3FB2]  }
0x2f: {  	lr =	sadd.s32 s0, s3;
	s0 =	sld [smem:$0x3FA9]  }
0x30: {  	s3 =	sld [smem:$0x3FAC]  }
0x31: {  	[smem:$0x3FB5] =	sst s10  }
0x32: {  	s10 =	sld [smem:$0x3FB3];
	_ =	sdelay $0x3  }
0x33: {  	p0 =	seq.s32 s10, $0x1;
	s10 =	sld [smem:$0x3FB5];
	_ =	sdelay $0x3  }
0x34: {  	[smem:$0x3FB5] =	sst s10  }
0x35: {  	s10 =	sld [smem:$0x3FB4];
	_ =	sdelay $0x3  }
0x36: {  	p1 =	seq.s32 s10, $0x1;
	s10 =	sld [smem:$0x3FB5];
	_ =	sdelay $0x3  }
0x37: {  	[smem:$0x3FB5] =	sst s10  }
0x38: {  	s10 =	sld [smem:$0x3FB6]  }
0x39: {  	_ = 	snop;
	(pc) =	sbr.ind lr, $3  }
0x3a: {  	_ = 	snop  }
0x3b: {  	_ = 	snop  }
0x3c: {  	p2 =	seq.s32 s10, $0x1;
	s10 =	sld [smem:$0x3FB5]  }
0x3d: {  	_ =	shalt  }
0x3e: {  	_ =	shalt  }
0x3f: {  	_ =	shalt  }
0x40: {  	_ =	shalt  }
0x41: {  	_ =	shalt  }
0x42: {  	_ =	shalt  }
0x43: {  	_ =	shalt  }
0x44: {  	_ =	shalt  }
0x45: {  	_ =	shalt  }
0x46: {  	_ =	shalt  }
0x47: {  	_ =	shalt  }
0x48: {  	_ =	shalt  }
0x49: {  	_ =	shalt  }
0x4a: {  	_ =	shalt  }
0x4b: {  	_ =	shalt  }
0x4c: {  	_ =	shalt  }
0x4d: {  	_ =	shalt  }
0x4e: {  	_ =	shalt  }
0x4f: {  	_ =	shalt  }
0x50: {  	_ =	shalt  }
0x51: {  	_ =	shalt  }
0x52: {  	_ =	shalt  }
0x53: {  	_ =	shalt  }
0x54: {  	_ =	shalt  }
0x55: {  	_ =	shalt  }
0x56: {  	_ =	shalt  }
0x57: {  	_ =	shalt  }
0x58: {  	_ =	shalt  }
0x59: {  	_ =	shalt  }
0x5a: {  	_ =	shalt  }
0x5b: {  	_ =	shalt  }
0x5c: {  	_ =	shalt  }
0x5d: {  	_ =	shalt  }
0x5e: {  	_ =	shalt  }
0x5f: {  	_ =	shalt  }
0x60: {  	_ =	shalt  }
0x61: {  	_ =	shalt  }
0x62: {  	_ =	shalt  }
0x63: {  	_ =	shalt  }
0x64: {  	_ =	shalt  }
0x65: {  	_ =	shalt  }
0x66: {  	_ =	shalt  }
0x67: {  	_ =	shalt  }
0x68: {  	_ =	shalt  }
0x69: {  	_ =	shalt  }
0x6a: {  	_ =	shalt  }
0x6b: {  	_ =	shalt  }
0x6c: {  	_ =	shalt  }
0x6d: {  	_ =	shalt  }
0x6e: {  	_ =	shalt  }
0x6f: {  	_ =	shalt  }
0x70: {  	_ =	shalt  }
0x71: {  	_ =	shalt  }
0x72: {  	_ =	shalt  }
0x73: {  	_ =	shalt  }
0x74: {  	_ =	shalt  }
0x75: {  	_ =	shalt  }
0x76: {  	_ =	shalt  }
0x77: {  	_ =	shalt  }
0x78: {  	_ =	shalt  }
0x79: {  	_ =	shalt  }
0x7a: {  	_ =	shalt  }
0x7b: {  	_ =	shalt  }
0x7c: {  	_ =	shalt  }
0x7d: {  	_ =	shalt  }
0x7e: {  	_ =	shalt  }
0x7f: {  	_ =	shalt  }
0x80: {  	_ =	shalt  }
0x81: {  	_ =	shalt  }
0x82: {  	_ =	shalt  }
0x83: {  	_ =	shalt  }
0x84: {  	_ =	shalt  }
0x85: {  	_ =	shalt  }
0x86: {  	_ =	shalt  }
0x87: {  	_ =	shalt  }
.Lfunc_end0:
.L_simem_size_0:
called_computation_lowered:
.L_overlay_start_0:
0x88: {  	s2 =	sld [smem:$0x3FD9]  }
0x89: {  	s3 =	sld [smem:$0x3FFE];
	_ =	sdelay $0x1  }
0x8a: {  	s1 =	srdreg.scid  }
0x8b: {  	s0 =	sand.u32 $0x1, s1  }
0x8c: {  	s17 =	sshll.u32 s0, $0xA;
	s2 =	sadd.s32 s3, s2  }
0x8d: {  	s2 =	sadd.s32 s2, s17  }
0x8e: {  	[smem:$0x3FC1] =	sst s2  }
0x8f: {  	_ = 	snop  }
0x90: {  	s2 =	sld [smem:$0x3FC7]  }
0x91: {  	s18 =	sld [smem:$0x3FD0];
	(tm) =	ssettm $0x1  }
0x92: {  	s4 =	sld [smem:$0x3FFB];
	_ =	sdelay $0x3  }
0x93: {  	_ =	strace s4  }
0x94: {  	s4 =	sld [smem:$0x3FFC];
	_ =	sdelay $0x3  }
0x95: {  	_ =	strace s4  }
0x96: {  	s4 =	sld [smem:$0x3FFD];
	_ =	sdelay $0x3  }
0x97: {  	_ =	strace s4  }
0x98: {  	_ =	strace $0x8FFFFFFF  }
0x99: {  	s19 =	sld [smem:$0x3FDB];
	_ =	sdelay $0x1  }
0x9a: {  	s5 =	simm.s32 $_scs_section_size  }
0x9b: {  	s6 =	simm.s32 $_size__tile_overlayer_lowered;
	s7 =	simm.s32 $_tile_overlayer_lowered  }
0x9c: {  	s22 =	simm.s32 $0x1BFF;
	s21 =	sshll.u32 s7, $0x1;
	s4 =	sadd.s32 s5, s19  }
0x9d: {  	s8 =	simm.s32 $0x0;
	s20 =	sshll.u32 s6, $0x1;
	s6 =	sadd.s32 s21, s4  }
0x9e: {  	[timem:s8], [sflag:s22] =	dma.local [hbm:s6], s20  }
0x9f: {  	_ =	swait.ge [sflag:s22], s20  }
0xa0: {  	s5 =	ssub.s32 $0x0, s20;
	[sflag:s22] =	ssyncset.done $0x0  }
0xa1: {  	[sflag:s22] =	ssyncadd.s32 s5;
	_ =	sdelay $0x1  }
0xa2: {  	s23 =	simm.s32 $0x1B8B  }
0xa3: {  	_ =	swait.ge [sflag:s23], $0x1  }
0xa4: {  	[sflag:s23] =	ssyncset.done $0x0  }
0xa5: {  	s25 =	simm.s32 $0x1B8E;
	s24 =	sld [smem:$0x3FFE];
	[sflag:s23] =	ssyncadd.s32 $0xFFFFFFFF  }
0xa6: {  	s26 =	simm.s32 $execute0_lowered;
	[smem:$0x3FD2] =	sst s25  }
0xa7: {  	s6 =	sshll.u32 s26, $0x1;
	_ =	strace $0x80000046;
	[dreg:$0x1] =	wrdreg $0xFFFFFFFF  }
0xa8: {  	s28 =	simm.s32 $_size_execute0_lowered;
	s4 =	sadd.s32 s4, s6;
	[dreg:$0x0] =	wrdreg $0x0  }
0xa9: {  	s6 =	sshll.u32 s28, $0x1;
	[dreg:$0x2] =	wrdreg s4  }
0xaa: {  	[dreg:$0x3] =	wrdreg s6  }
0xab: {  	[dreg:$0x4] =	wrdreg $0xC0  }
0xac: {  	_ =	task [dreg:s8], $0x5FFFF  }
0xad: {  	[dreg:$0x1] =	wrdreg $0xFFFFFFFF  }
0xae: {  	[dreg:$0x0] =	wrdreg $0x60  }
0xaf: {  	[dreg:$0x2] =	wrdreg s2  }
0xb0: {  	[dreg:$0x3] =	wrdreg s24  }
0xb1: {  	[dreg:$0x4] =	wrdreg s18  }
0xb2: {  	[dreg:$0x5] =	wrdreg $0x9  }
0xb3: {  	_ =	task.clear_ibuf [dreg:s8], $0x6FFFF;
	_ =	strace $0x90000046  }
0xb4: {  	s29 =	simm.s32 $0x9;
	_ =	strace $0x80000048  }
0xb5: {  	_ =	swait.ge [sflag:s29], $0x1  }
0xb6: {  	[sflag:s29] =	ssyncadd.s32 $0xFFFFFFFF  }
0xb7: {  	_ =	strace $0x90000048  }
0xb8: {  	_ =	sfence  }
0xb9: {  	s30 =	sld [smem:$0x0];
	_ =	sdelay $0x2  }
0xba: {  	s31 =	sshll.u32 s1, $0xD;
	s1 =	sshrl.u32 s1, $0x2  }
0xbb: {  	s3 =	sand.u32 $0x4000, s31;
	s1 =	sadd.s32 s1, s30  }
0xbc: {  	s0 =	sor.u32 s3, s0;
	s1 =	sshll.u32 s1, $0x11  }
0xbd: {  	s0 =	sor.u32 s1, s0  }
0xbe: {  	s0 =	sadd.s32 $0x8F2B, s0  }
0xbf: {  	[sflag:s0] =	ssyncadd.remote.s32 $0x1  }
0xc0: {  	_ =	sfence.sel $0xFFFF  }
0xc1: {  	[dreg:$0x0] =	wrdreg $0xFFFFFFFF;
	(pc) =	sbr.abs _section_cstart, $3  }
0xc2: {  	[dreg:$0x1] =	wrdreg $0xFFFFFFFF  }
0xc3: {  	_ =	task.clear_ibuf [dreg:s8], $0x2FFFF;
	_ =	strace $0x9FFFFFFF  }
0xc4: {  	(tm) =	ssettm $0x7FFFFFFF  }
0xc5: {  	_ =	shalt  }
tec
execute0_lowered:
.L_overlay_start_1:
0x0: {  	(tag) =	ssettag $0x1  }
0x1: {  	s2 =	srdreg.scid  }
0x2: {  	s0 =	stileid.u32;
	s1 =	rddreg [dreg:$0x0]  }
0x3: {  	s4 =	rddreg [dreg:$0x1];
	s2 =	sand.u32 $0x1, s2;
	s3 =	sshll.u32 s0, $0x1  }
0x4: {  	s6 =	rddreg [dreg:$0x2];
	s5 =	sor.u32 s2, s3;
	s3 =	simm.s32 $0x0  }
0x5: {  	s12 =	simm.s32 $0x900;
	[smem:$0x7FF] =	sst s3  }
0x6: {  	s13 =	simm.s32 $0x1100;
	_ =	strace $0x80000047;
	[dreg:$0x6] =	wrdreg s12  }
0x7: {  	s14 =	simm.s32 $0x1900;
	[dreg:$0x7] =	wrdreg s13  }
0x8: {  	s15 =	simm.s32 $0x2100;
	[dreg:$0x8] =	wrdreg s14  }
0x9: {  	s16 =	simm.s32 $0x2900;
	[dreg:$0x9] =	wrdreg s15  }
0xa: {  	s17 =	simm.s32 $0x3100;
	[dreg:$0xa] =	wrdreg s16  }
0xb: {  	s18 =	simm.s32 $0x3900;
	[dreg:$0xb] =	wrdreg s17  }
0xc: {  	s19 =	simm.s32 $0x4100;
	[dreg:$0xc] =	wrdreg s18  }
0xd: {  	s20 =	simm.s32 $0x4900;
	[dreg:$0xd] =	wrdreg s19  }
0xe: {  	s21 =	simm.s32 $0x5100;
	[dreg:$0xe] =	wrdreg s20  }
0xf: {  	s22 =	simm.s32 $0x5900;
	[dreg:$0xf] =	wrdreg s21  }
0x10: {  	s23 =	simm.s32 $0x6100;
	[dreg:$0x10] =	wrdreg s22  }
0x11: {  	s24 =	simm.s32 $0x6900;
	[dreg:$0x11] =	wrdreg s23  }
0x12: {  	s25 =	simm.s32 $0x7100;
	[dreg:$0x12] =	wrdreg s24  }
0x13: {  	s26 =	simm.s32 $0x7900;
	[dreg:$0x13] =	wrdreg s25  }
0x14: {  	s0 =	simm.s32 $0x8100;
	[dreg:$0x14] =	wrdreg s26  }
0x15: {  	s8 =	simm.s32 $0xA100;
	[dreg:$0x15] =	wrdreg s0  }
0x16: {  	s9 =	simm.s32 $0xA900;
	s10 =	simm.s32 $0xB100;
	[dreg:$0x19] =	wrdreg s8  }
0x17: {  	s28 =	simm.s32 $0x1C100;
	s29 =	simm.s32 $0x1C900;
	[dreg:$0x1a] =	wrdreg s9  }
0x18: {  	s30 =	simm.s32 $0x1D100;
	[dreg:$0x1b] =	wrdreg s10;
	s12 =	simm.s32 $0xC100  }
0x19: {  	s31 =	simm.s32 $0x1D900;
	s13 =	simm.s32 $0xC900;
	[dreg:$0x1d] =	wrdreg s12  }
0x1a: {  	s2 =	ssub.s32 $0x2, s2;
	s14 =	simm.s32 $0xD100;
	[dreg:$0x1e] =	wrdreg s13  }
0x1b: {  	s7 =	smul.u32 $0x14, s5;
	s15 =	simm.s32 $0xD900;
	[dreg:$0x1f] =	wrdreg s14  }
0x1c: {  	s5 =	smul.u32 $0x3C00, s5;
	s16 =	simm.s32 $0xE100;
	[smem:$0x7F3] =	sst s15  }
0x1d: {  	s17 =	simm.s32 $0xE900;
	s18 =	simm.s32 $0xF100;
	[smem:$0x7F4] =	sst s16  }
0x1e: {  	s19 =	sshrl.u32 s2, $0x1;
	s20 =	simm.s32 $0xF900;
	[smem:$0x7F5] =	sst s17  }
0x1f: {  	s21 =	simm.s32 $0x10100;
	s22 =	simm.s32 $0x10900;
	[smem:$0x7F6] =	sst s18  }
0x20: {  	s23 =	simm.s32 $0x11100;
	s24 =	simm.s32 $0x11900;
	[smem:$0x7F7] =	sst s20  }
0x21: {  	s25 =	simm.s32 $0x12100;
	s8 =	simm.s32 $0x100;
	[smem:$0x7F8] =	sst s21  }
0x22: {  	s26 =	simm.s32 $0x12900;
	s10 =	simm.s32 $0x13900;
	[smem:$0x7F9] =	sst s22  }
0x23: {  	s4 =	sadd.s32 s7, s4;
	s11 =	sadd.s32 s6, s5;
	[smem:$0x7FA] =	sst s23  }
0x24: {  	s5 =	simm.s32 $0x8900;
	s6 =	simm.s32 $0x9100;
	[smem:$0x7FB] =	sst s24  }
0x25: {  	s7 =	simm.s32 $0x9900;
	s2 =	ssub.s32 s2, s19;
	[smem:$0x7FC] =	sst s25  }
0x26: {  	[smem:$0x7FD] =	sst s26;
	s12 =	simm.s32 $0x14900;
	s13 =	simm.s32 $0x15100  }
0x27: {  	s14 =	simm.s32 $0x15900;
	s15 =	simm.s32 $0x16100;
	s16 =	simm.s32 $0x16900  }
0x28: {  	s17 =	simm.s32 $0x17100;
	s18 =	simm.s32 $0x17900;
	s19 =	simm.s32 $0x18100  }
0x29: {  	s20 =	simm.s32 $0x18900;
	s21 =	simm.s32 $0x19100;
	[dreg:$0x5] =	wrdreg s11  }
0x2a: {  	s22 =	simm.s32 $0x19900;
	s23 =	simm.s32 $0x1A100;
	[dreg:$0x16] =	wrdreg s5  }
0x2b: {  	s24 =	simm.s32 $0x1A900;
	s25 =	simm.s32 $0x1B100;
	[dreg:$0x17] =	wrdreg s6  }
0x2c: {  	s26 =	simm.s32 $0x1B900;
	s4 =	sadd.s32 $0x1000, s4;
	[dreg:$0x18] =	wrdreg s7  }
0x2d: {  	v2 =	vlaneseq.u32;
	s11 =	simm.s32 $0xB900;
	s5 =	sadd.s32 $0x200, s1;
	s6 =	smax.u32 s2, $0x1  }
0x2e: {  	vm0 =	vmmov $0xffff;
	v1 =	vshrl.u32 v2, $0x3;
	s7 =	simm.s32 $0x2;
	s2 =	simm.s32 $0x1;
	[dreg:$0x4] =	wrdreg s4  }
0x2f: {  	v0 =	vand.u32 $0x7, v2;
	v2 =	vor.u32 $0x8, v2;
	v1 =	vmul.u32 $0x8, v1;
	[dreg:$0x1c] =	wrdreg s11;
	s4 =	sadd.s32 $0x100, s1;
	s11 =	simm.s32 $0x14100  }
.LBB2_1:
0x30: {  	s0 =	rddreg [dreg:$0x4]  }
0x31: {  	[tilespmem:s3], [sflag:$0x2] =	stream.linear.gather [hbm4b:s0+s3], $0xA0, $0x38;
	[tilespmem:$0x1E100] =	vst v63  }
0x32: {  	_ =	swait.ge [sflag:s7], $0xA0  }
0x33: {  	[sflag:s7] =	ssyncset.done $0x0  }
0x34: {  	[sflag:s7] =	ssyncadd.s32 $0xFFFFFF60  }
0x35: {  	v3 =	vld [tilespmem:$0x0];
	_ =	sdelay $0x4  }
0x36: {  	v4 =	vshrl.u32 v3, $0x3  }
0x37: {  	v4 =	vmul.u32 $0x30, v4  }
0x38: {  	v3 =	vand.u32 $0x7, v3  }
0x39: {  	v3 =	vor.u32 v3, v4  }
0x3a: {  	v4 =	vperm.xlane v3, v0;
	_ =	sdelay $0x1  }
0x3b: {  	v4 =	vadd.s32 v1, v4;
	_ =	sdelay $0x3  }
0x3c: {  	v3 =	vperm.xlane v3, v2  }
0x3d: {  	[tilespmem:s8], [sflag:$0x1] =	stream.indirect_vreg.gather [hbm4b:s1+s3], $0x80, v4, vm0, $0xb8;
	[tilespmem:$0x1E100] =	vst v63  }
0x3e: {  	s0 =	rddreg [dreg:$0x6];
	v3 =	vadd.s32 v1, v3  }
0x3f: {  	[tilespmem:s0], [sflag:$0x1] =	stream.indirect_vreg.gather [hbm4b:s4+s3], $0x80, v4, vm0, $0xb8;
	[tilespmem:$0x1E100] =	vst v63  }
0x40: {  	s9 =	rddreg [dreg:$0x7]  }
0x41: {  	[tilespmem:s9], [sflag:$0x1] =	stream.indirect_vreg.gather [hbm4b:s5+s3], $0x80, v4, vm0, $0xb8;
	[tilespmem:$0x1E100] =	vst v63  }
0x42: {  	s0 =	rddreg [dreg:$0x8]  }
0x43: {  	[tilespmem:s0], [sflag:$0x1] =	stream.indirect_vreg.gather [hbm4b:s1+s3], $0x80, v3, vm0, $0xb8;
	[tilespmem:$0x1E100] =	vst v63  }
0x44: {  	s9 =	rddreg [dreg:$0x9]  }
0x45: {  	[tilespmem:s9], [sflag:$0x1] =	stream.indirect_vreg.gather [hbm4b:s4+s3], $0x80, v3, vm0, $0xb8;
	[tilespmem:$0x1E100] =	vst v63  }
0x46: {  	s0 =	rddreg [dreg:$0xa]  }
0x47: {  	[tilespmem:s0], [sflag:$0x1] =	stream.indirect_vreg.gather [hbm4b:s5+s3], $0x80, v3, vm0, $0xb8;
	[tilespmem:$0x1E100] =	vst v63  }
0x48: {  	v3 =	vld [tilespmem:$0x10];
	_ =	sdelay $0x4  }
0x49: {  	v55 =	vshrl.u32 v3, $0x3  }
0x4a: {  	v4 =	vmul.u32 $0x30, v55  }
0x4b: {  	v3 =	vand.u32 $0x7, v3  }
0x4c: {  	v3 =	vor.u32 v3, v4  }
0x4d: {  	v4 =	vperm.xlane v3, v0;
	_ =	sdelay $0x1  }
0x4e: {  	v4 =	vadd.s32 v1, v4;
	_ =	sdelay $0x3  }
0x4f: {  	s0 =	rddreg [dreg:$0xb];
	v3 =	vperm.xlane v3, v2  }
0x50: {  	[tilespmem:s0], [sflag:$0x1] =	stream.indirect_vreg.gather [hbm4b:s1+s3], $0x80, v4, vm0, $0xb8;
	[tilespmem:$0x1E100] =	vst v63  }
0x51: {  	s9 =	rddreg [dreg:$0xc];
	v3 =	vadd.s32 v1, v3  }
0x52: {  	[tilespmem:s9], [sflag:$0x1] =	stream.indirect_vreg.gather [hbm4b:s4+s3], $0x80, v4, vm0, $0xb8;
	[tilespmem:$0x1E100] =	vst v63  }
0x53: {  	s0 =	rddreg [dreg:$0xd]  }
0x54: {  	[tilespmem:s0], [sflag:$0x1] =	stream.indirect_vreg.gather [hbm4b:s5+s3], $0x80, v4, vm0, $0xb8;
	[tilespmem:$0x1E100] =	vst v63  }
0x55: {  	s9 =	rddreg [dreg:$0xe]  }
0x56: {  	[tilespmem:s9], [sflag:$0x1] =	stream.indirect_vreg.gather [hbm4b:s1+s3], $0x80, v3, vm0, $0xb8;
	[tilespmem:$0x1E100] =	vst v63  }
0x57: {  	s0 =	rddreg [dreg:$0xf]  }
0x58: {  	[tilespmem:s0], [sflag:$0x1] =	stream.indirect_vreg.gather [hbm4b:s4+s3], $0x80, v3, vm0, $0xb8;
	[tilespmem:$0x1E100] =	vst v63  }
0x59: {  	s9 =	rddreg [dreg:$0x10]  }
0x5a: {  	[tilespmem:s9], [sflag:$0x1] =	stream.indirect_vreg.gather [hbm4b:s5+s3], $0x80, v3, vm0, $0xb8;
	[tilespmem:$0x1E100] =	vst v63  }
0x5b: {  	v3 =	vld [tilespmem:$0x20];
	_ =	sdelay $0x4  }
0x5c: {  	v56 =	vshrl.u32 v3, $0x3  }
0x5d: {  	v4 =	vmul.u32 $0x30, v56  }
0x5e: {  	v3 =	vand.u32 $0x7, v3  }
0x5f: {  	v3 =	vor.u32 v3, v4  }
0x60: {  	v4 =	vperm.xlane v3, v0;
	_ =	sdelay $0x1  }
0x61: {  	v4 =	vadd.s32 v1, v4;
	_ =	sdelay $0x3  }
0x62: {  	s0 =	rddreg [dreg:$0x11];
	v3 =	vperm.xlane v3, v2  }
0x63: {  	[tilespmem:s0], [sflag:$0x1] =	stream.indirect_vreg.gather [hbm4b:s1+s3], $0x80, v4, vm0, $0xb8;
	[tilespmem:$0x1E100] =	vst v63  }
0x64: {  	s9 =	rddreg [dreg:$0x12];
	v3 =	vadd.s32 v1, v3  }
0x65: {  	[tilespmem:s9], [sflag:$0x1] =	stream.indirect_vreg.gather [hbm4b:s4+s3], $0x80, v4, vm0, $0xb8;
	[tilespmem:$0x1E100] =	vst v63  }
0x66: {  	s0 =	rddreg [dreg:$0x13]  }
0x67: {  	[tilespmem:s0], [sflag:$0x1] =	stream.indirect_vreg.gather [hbm4b:s5+s3], $0x80, v4, vm0, $0xb8;
	[tilespmem:$0x1E100] =	vst v63  }
0x68: {  	s9 =	rddreg [dreg:$0x14]  }
0x69: {  	[tilespmem:s9], [sflag:$0x1] =	stream.indirect_vreg.gather [hbm4b:s1+s3], $0x80, v3, vm0, $0xb8;
	[tilespmem:$0x1E100] =	vst v63  }
0x6a: {  	s0 =	rddreg [dreg:$0x15]  }
0x6b: {  	[tilespmem:s0], [sflag:$0x1] =	stream.indirect_vreg.gather [hbm4b:s4+s3], $0x80, v3, vm0, $0xb8;
	[tilespmem:$0x1E100] =	vst v63  }
0x6c: {  	s9 =	rddreg [dreg:$0x16]  }
0x6d: {  	[tilespmem:s9], [sflag:$0x1] =	stream.indirect_vreg.gather [hbm4b:s5+s3], $0x80, v3, vm0, $0xb8;
	[tilespmem:$0x1E100] =	vst v63  }
0x6e: {  	v3 =	vld [tilespmem:$0x30];
	_ =	sdelay $0x4  }
0x6f: {  	v57 =	vshrl.u32 v3, $0x3  }
0x70: {  	v4 =	vmul.u32 $0x30, v57  }
0x71: {  	v3 =	vand.u32 $0x7, v3  }
0x72: {  	v3 =	vor.u32 v3, v4  }
0x73: {  	v4 =	vperm.xlane v3, v0;
	_ =	sdelay $0x1  }
0x74: {  	v4 =	vadd.s32 v1, v4;
	_ =	sdelay $0x3  }
0x75: {  	s0 =	rddreg [dreg:$0x17];
	v3 =	vperm.xlane v3, v2  }
0x76: {  	[tilespmem:s0], [sflag:$0x1] =	stream.indirect_vreg.gather [hbm4b:s1+s3], $0x80, v4, vm0, $0xb8;
	[tilespmem:$0x1E100] =	vst v63  }
0x77: {  	s9 =	rddreg [dreg:$0x18];
	v3 =	vadd.s32 v1, v3  }
0x78: {  	[tilespmem:s9], [sflag:$0x1] =	stream.indirect_vreg.gather [hbm4b:s4+s3], $0x80, v4, vm0, $0xb8;
	[tilespmem:$0x1E100] =	vst v63  }
0x79: {  	s0 =	rddreg [dreg:$0x19]  }
0x7a: {  	[tilespmem:s0], [sflag:$0x1] =	stream.indirect_vreg.gather [hbm4b:s5+s3], $0x80, v4, vm0, $0xb8;
	[tilespmem:$0x1E100] =	vst v63  }
0x7b: {  	s9 =	rddreg [dreg:$0x1a]  }
0x7c: {  	[tilespmem:s9], [sflag:$0x1] =	stream.indirect_vreg.gather [hbm4b:s1+s3], $0x80, v3, vm0, $0xb8;
	[tilespmem:$0x1E100] =	vst v63  }
0x7d: {  	s0 =	rddreg [dreg:$0x1b]  }
0x7e: {  	[tilespmem:s0], [sflag:$0x1] =	stream.indirect_vreg.gather [hbm4b:s4+s3], $0x80, v3, vm0, $0xb8;
	[tilespmem:$0x1E100] =	vst v63  }
0x7f: {  	s9 =	rddreg [dreg:$0x1c]  }
0x80: {  	[tilespmem:s9], [sflag:$0x1] =	stream.indirect_vreg.gather [hbm4b:s5+s3], $0x80, v3, vm0, $0xb8;
	[tilespmem:$0x1E100] =	vst v63  }
0x81: {  	v3 =	vld [tilespmem:$0x40];
	_ =	sdelay $0x4  }
0x82: {  	v58 =	vshrl.u32 v3, $0x3  }
0x83: {  	v4 =	vmul.u32 $0x30, v58  }
0x84: {  	v3 =	vand.u32 $0x7, v3  }
0x85: {  	v3 =	vor.u32 v3, v4  }
0x86: {  	v4 =	vperm.xlane v3, v0;
	_ =	sdelay $0x1  }
0x87: {  	v4 =	vadd.s32 v1, v4;
	_ =	sdelay $0x2  }
0x88: {  	s0 =	rddreg [dreg:$0x1d]  }
0x89: {  	s9 =	rddreg [dreg:$0x1e];
	v3 =	vperm.xlane v3, v2  }
0x8a: {  	[tilespmem:s0], [sflag:$0x1] =	stream.indirect_vreg.gather [hbm4b:s1+s3], $0x80, v4, vm0, $0xb8;
	[tilespmem:$0x1E100] =	vst v63  }
0x8b: {  	v3 =	vadd.s32 v1, v3;
	s0 =	rddreg [dreg:$0x1f]  }
0x8c: {  	[tilespmem:s9], [sflag:$0x1] =	stream.indirect_vreg.gather [hbm4b:s4+s3], $0x80, v4, vm0, $0xb8;
	[tilespmem:$0x1E100] =	vst v63  }
0x8d: {  	s9 =	sld [smem:$0x7F3]  }
0x8e: {  	[tilespmem:s0], [sflag:$0x1] =	stream.indirect_vreg.gather [hbm4b:s5+s3], $0x80, v4, vm0, $0xb8;
	[tilespmem:$0x1E100] =	vst v63  }
0x8f: {  	s0 =	sld [smem:$0x7F4]  }
0x90: {  	[tilespmem:s9], [sflag:$0x1] =	stream.indirect_vreg.gather [hbm4b:s1+s3], $0x80, v3, vm0, $0xb8;
	[tilespmem:$0x1E100] =	vst v63  }
0x91: {  	s9 =	sld [smem:$0x7F5]  }
0x92: {  	[tilespmem:s0], [sflag:$0x1] =	stream.indirect_vreg.gather [hbm4b:s4+s3], $0x80, v3, vm0, $0xb8;
	[tilespmem:$0x1E100] =	vst v63  }
0x93: {  	_ = 	snop  }
0x94: {  	[tilespmem:s9], [sflag:$0x1] =	stream.indirect_vreg.gather [hbm4b:s5+s3], $0x80, v3, vm0, $0xb8;
	[tilespmem:$0x1E100] =	vst v63  }
0x95: {  	v3 =	vld [tilespmem:$0x50];
	_ =	sdelay $0x4  }
0x96: {  	v59 =	vshrl.u32 v3, $0x3  }
0x97: {  	v4 =	vmul.u32 $0x30, v59  }
0x98: {  	v3 =	vand.u32 $0x7, v3  }
0x99: {  	v3 =	vor.u32 v3, v4  }
0x9a: {  	v4 =	vperm.xlane v3, v0;
	_ =	sdelay $0x1  }
0x9b: {  	v4 =	vadd.s32 v1, v4;
	_ =	sdelay $0x1  }
0x9c: {  	s0 =	sld [smem:$0x7F6];
	_ =	sdelay $0x1  }
0x9d: {  	s9 =	sld [smem:$0x7F7];
	v3 =	vperm.xlane v3, v2  }
0x9e: {  	[tilespmem:s0], [sflag:$0x1] =	stream.indirect_vreg.gather [hbm4b:s1+s3], $0x80, v4, vm0, $0xb8;
	[tilespmem:$0x1E100] =	vst v63  }
0x9f: {  	v3 =	vadd.s32 v1, v3;
	s0 =	sld [smem:$0x7F8]  }
0xa0: {  	[tilespmem:s9], [sflag:$0x1] =	stream.indirect_vreg.gather [hbm4b:s4+s3], $0x80, v4, vm0, $0xb8;
	[tilespmem:$0x1E100] =	vst v63  }
0xa1: {  	s9 =	sld [smem:$0x7F9]  }
0xa2: {  	[tilespmem:s0], [sflag:$0x1] =	stream.indirect_vreg.gather [hbm4b:s5+s3], $0x80, v4, vm0, $0xb8;
	[tilespmem:$0x1E100] =	vst v63  }
0xa3: {  	s0 =	sld [smem:$0x7FA]  }
0xa4: {  	[tilespmem:s9], [sflag:$0x1] =	stream.indirect_vreg.gather [hbm4b:s1+s3], $0x80, v3, vm0, $0xb8;
	[tilespmem:$0x1E100] =	vst v63  }
0xa5: {  	s9 =	sld [smem:$0x7FB]  }
0xa6: {  	[tilespmem:s0], [sflag:$0x1] =	stream.indirect_vreg.gather [hbm4b:s4+s3], $0x80, v3, vm0, $0xb8;
	[tilespmem:$0x1E100] =	vst v63  }
0xa7: {  	_ = 	snop  }
0xa8: {  	[tilespmem:s9], [sflag:$0x1] =	stream.indirect_vreg.gather [hbm4b:s5+s3], $0x80, v3, vm0, $0xb8;
	[tilespmem:$0x1E100] =	vst v63  }
0xa9: {  	v3 =	vld [tilespmem:$0x60];
	_ =	sdelay $0x4  }
0xaa: {  	v60 =	vshrl.u32 v3, $0x3  }
0xab: {  	v4 =	vmul.u32 $0x30, v60  }
0xac: {  	v3 =	vand.u32 $0x7, v3  }
0xad: {  	v3 =	vor.u32 v3, v4  }
0xae: {  	v4 =	vperm.xlane v3, v0;
	_ =	sdelay $0x1  }
0xaf: {  	v4 =	vadd.s32 v1, v4;
	_ =	sdelay $0x1  }
0xb0: {  	s0 =	sld [smem:$0x7FC];
	_ =	sdelay $0x1  }
0xb1: {  	s9 =	sld [smem:$0x7FD];
	v3 =	vperm.xlane v3, v2  }
0xb2: {  	[tilespmem:s0], [sflag:$0x1] =	stream.indirect_vreg.gather [hbm4b:s1+s3], $0x80, v4, vm0, $0xb8;
	[tilespmem:$0x1E100] =	vst v63  }
0xb3: {  	v3 =	vadd.s32 v1, v3  }
0xb4: {  	[tilespmem:s9], [sflag:$0x1] =	stream.indirect_vreg.gather [hbm4b:s4+s3], $0x80, v4, vm0, $0xb8;
	[tilespmem:$0x1E100] =	vst v63  }
0xb5: {  	s9 =	simm.s32 $0x13100  }
0xb6: {  	[tilespmem:s9], [sflag:$0x1] =	stream.indirect_vreg.gather [hbm4b:s5+s3], $0x80, v4, vm0, $0xb8;
	[tilespmem:$0x1E100] =	vst v63  }
0xb7: {  	_ = 	snop  }
0xb8: {  	[tilespmem:s10], [sflag:$0x1] =	stream.indirect_vreg.gather [hbm4b:s1+s3], $0x80, v3, vm0, $0xb8;
	[tilespmem:$0x1E100] =	vst v63  }
0xb9: {  	_ = 	snop  }
0xba: {  	[tilespmem:s11], [sflag:$0x1] =	stream.indirect_vreg.gather [hbm4b:s4+s3], $0x80, v3, vm0, $0xb8;
	[tilespmem:$0x1E100] =	vst v63  }
0xbb: {  	_ = 	snop  }
0xbc: {  	[tilespmem:s12], [sflag:$0x1] =	stream.indirect_vreg.gather [hbm4b:s5+s3], $0x80, v3, vm0, $0xb8;
	[tilespmem:$0x1E100] =	vst v63  }
0xbd: {  	v3 =	vld [tilespmem:$0x70];
	_ =	sdelay $0x4  }
0xbe: {  	v61 =	vshrl.u32 v3, $0x3  }
0xbf: {  	v4 =	vmul.u32 $0x30, v61  }
0xc0: {  	v3 =	vand.u32 $0x7, v3  }
0xc1: {  	v3 =	vor.u32 v3, v4  }
0xc2: {  	v4 =	vperm.xlane v3, v0;
	_ =	sdelay $0x1  }
0xc3: {  	v4 =	vadd.s32 v1, v4;
	_ =	sdelay $0x3  }
0xc4: {  	v3 =	vperm.xlane v3, v2  }
0xc5: {  	[tilespmem:s13], [sflag:$0x1] =	stream.indirect_vreg.gather [hbm4b:s1+s3], $0x80, v4, vm0, $0xb8;
	[tilespmem:$0x1E100] =	vst v63  }
0xc6: {  	v3 =	vadd.s32 v1, v3  }
0xc7: {  	[tilespmem:s14], [sflag:$0x1] =	stream.indirect_vreg.gather [hbm4b:s4+s3], $0x80, v4, vm0, $0xb8;
	[tilespmem:$0x1E100] =	vst v63  }
0xc8: {  	_ = 	snop  }
0xc9: {  	[tilespmem:s15], [sflag:$0x1] =	stream.indirect_vreg.gather [hbm4b:s5+s3], $0x80, v4, vm0, $0xb8;
	[tilespmem:$0x1E100] =	vst v63  }
0xca: {  	_ = 	snop  }
0xcb: {  	[tilespmem:s16], [sflag:$0x1] =	stream.indirect_vreg.gather [hbm4b:s1+s3], $0x80, v3, vm0, $0xb8;
	[tilespmem:$0x1E100] =	vst v63  }
0xcc: {  	_ = 	snop  }
0xcd: {  	[tilespmem:s17], [sflag:$0x1] =	stream.indirect_vreg.gather [hbm4b:s4+s3], $0x80, v3, vm0, $0xb8;
	[tilespmem:$0x1E100] =	vst v63  }
0xce: {  	_ = 	snop  }
0xcf: {  	[tilespmem:s18], [sflag:$0x1] =	stream.indirect_vreg.gather [hbm4b:s5+s3], $0x80, v3, vm0, $0xb8;
	[tilespmem:$0x1E100] =	vst v63  }
0xd0: {  	v3 =	vld [tilespmem:$0x80];
	_ =	sdelay $0x4  }
0xd1: {  	v62 =	vshrl.u32 v3, $0x3  }
0xd2: {  	v4 =	vmul.u32 $0x30, v62  }
0xd3: {  	v3 =	vand.u32 $0x7, v3  }
0xd4: {  	v3 =	vor.u32 v3, v4  }
0xd5: {  	v4 =	vperm.xlane v3, v0;
	_ =	sdelay $0x1  }
0xd6: {  	v4 =	vadd.s32 v1, v4;
	_ =	sdelay $0x3  }
0xd7: {  	v3 =	vperm.xlane v3, v2  }
0xd8: {  	[tilespmem:s19], [sflag:$0x1] =	stream.indirect_vreg.gather [hbm4b:s1+s3], $0x80, v4, vm0, $0xb8;
	[tilespmem:$0x1E100] =	vst v63  }
0xd9: {  	v3 =	vadd.s32 v1, v3  }
0xda: {  	[tilespmem:s20], [sflag:$0x1] =	stream.indirect_vreg.gather [hbm4b:s4+s3], $0x80, v4, vm0, $0xb8;
	[tilespmem:$0x1E100] =	vst v63  }
0xdb: {  	_ = 	snop  }
0xdc: {  	[tilespmem:s21], [sflag:$0x1] =	stream.indirect_vreg.gather [hbm4b:s5+s3], $0x80, v4, vm0, $0xb8;
	[tilespmem:$0x1E100] =	vst v63  }
0xdd: {  	_ = 	snop  }
0xde: {  	[tilespmem:s22], [sflag:$0x1] =	stream.indirect_vreg.gather [hbm4b:s1+s3], $0x80, v3, vm0, $0xb8;
	[tilespmem:$0x1E100] =	vst v63  }
0xdf: {  	_ = 	snop  }
0xe0: {  	[tilespmem:s23], [sflag:$0x1] =	stream.indirect_vreg.gather [hbm4b:s4+s3], $0x80, v3, vm0, $0xb8;
	[tilespmem:$0x1E100] =	vst v63  }
0xe1: {  	_ = 	snop  }
0xe2: {  	[tilespmem:s24], [sflag:$0x1] =	stream.indirect_vreg.gather [hbm4b:s5+s3], $0x80, v3, vm0, $0xb8;
	[tilespmem:$0x1E100] =	vst v63  }
0xe3: {  	v3 =	vld [tilespmem:$0x90];
	_ =	sdelay $0x4  }
0xe4: {  	v63 =	vshrl.u32 v3, $0x3  }
0xe5: {  	v4 =	vmul.u32 $0x30, v63  }
0xe6: {  	v3 =	vand.u32 $0x7, v3  }
0xe7: {  	v3 =	vor.u32 v3, v4  }
0xe8: {  	v4 =	vperm.xlane v3, v0;
	_ =	sdelay $0x1  }
0xe9: {  	v4 =	vadd.s32 v1, v4;
	_ =	sdelay $0x3  }
0xea: {  	v3 =	vperm.xlane v3, v2  }
0xeb: {  	[tilespmem:s25], [sflag:$0x1] =	stream.indirect_vreg.gather [hbm4b:s1+s3], $0x80, v4, vm0, $0xb8;
	[tilespmem:$0x1E100] =	vst v63  }
0xec: {  	v3 =	vadd.s32 v1, v3  }
0xed: {  	[tilespmem:s26], [sflag:$0x1] =	stream.indirect_vreg.gather [hbm4b:s4+s3], $0x80, v4, vm0, $0xb8;
	[tilespmem:$0x1E100] =	vst v63  }
0xee: {  	_ = 	snop  }
0xef: {  	[tilespmem:s28], [sflag:$0x1] =	stream.indirect_vreg.gather [hbm4b:s5+s3], $0x80, v4, vm0, $0xb8;
	[tilespmem:$0x1E100] =	vst v63  }
0xf0: {  	_ = 	snop  }
0xf1: {  	[tilespmem:s29], [sflag:$0x1] =	stream.indirect_vreg.gather [hbm4b:s1+s3], $0x80, v3, vm0, $0xb8;
	[tilespmem:$0x1E100] =	vst v63  }
0xf2: {  	_ = 	snop  }
0xf3: {  	[tilespmem:s30], [sflag:$0x1] =	stream.indirect_vreg.gather [hbm4b:s4+s3], $0x80, v3, vm0, $0xb8;
	[tilespmem:$0x1E100] =	vst v63  }
0xf4: {  	_ = 	snop  }
0xf5: {  	[tilespmem:s31], [sflag:$0x1] =	stream.indirect_vreg.gather [hbm4b:s5+s3], $0x80, v3, vm0, $0xb8;
	[tilespmem:$0x1E100] =	vst v63  }
0xf6: {  	_ =	swait.ge [sflag:s2], $0x1E000  }
0xf7: {  	p0 =	sne.s32 s6, $0x1;
	[sflag:s2] =	ssyncset.done $0x0  }
.Ltmp0:
0xf8: {  	s9 =	rddreg [dreg:$0x5];
	[sflag:s2] =	ssyncadd.s32 $0xFFFE2000;
	(pc) =	sbr.rel @p0 .LBB2_1-.Ltmp0, $4  }
0xf9: {  	[hbm4b:s9+s3] =	stream.linear.scatter [tilespmem:s8], [sflag:$0x2], $0x1E000, $0x38;
	[tilespmem:$0x1E100] =	vst v63  }
0xfa: {  	_ =	swait.ge [sflag:s7], $0x1E000  }
0xfb: {  	[sflag:s7] =	ssyncset.done $0x0  }
0xfc: {  	s6 =	sadd.s32 $0xFFFFFFFF, s6;
	[sflag:s7] =	ssyncadd.s32 $0xFFFE2000  }
0xfd: {  	_ =	sfence.sel $0x180000  }
0xfe: {  	[bflag:$0x0] =	sbarrier.arrive $0xFFFF  }
0xff: {  	_ =	strace $0x90000047  }
0x100: {  	s0 =	stileid.u32;
	[bflag:$0x2] =	sbarrier.arrive $0xFFFF  }
0x101: {  	p0 =	sne.s32 s0, $0x0;
	s0 =	rddreg [dreg:$0x3]  }
0x102: {  	s0 =	sadd.s32 @!p0 $0x100000, s0  }
0x103: {  	[sflag:s0] =	ssyncadd.tile.s32 @!p0 $0x1;
	_ =	shalt  }
.Lfunc_end2:
_tile_overlayer_lowered:
.L_overlay_start_2:
0x104: {  	(tag) =	ssettag $0x2  }
0x105: {  	s0 =	rddreg [dreg:$0x0];
	s2 =	stileid.u32  }
0x106: {  	s1 =	rddreg [dreg:$0x1];
	p0 =	sne.s32 s2, $0x0  }
0x107: {  	s3 =	rddreg [dreg:$0x2];
	[bflag:$0x3] =	sbarrier.arrive $0xFFFF;
	s2 =	simm.s32 @!p0 $0x1C02  }
0x108: {  	[timem:s3], [sflag:s2] =	dma.local @!p0 [hbm:s0], s1  }
0x109: {  	s0 =	simm.s32 @!p0 $0x2  }
0x10a: {  	_ =	swait.ge @!p0 [sflag:s0], s1  }
0x10b: {  	s1 =	ssub.s32 @!p0 $0x0, s1;
	[sflag:s0] =	ssyncset.done @!p0 $0x0  }
0x10c: {  	[sflag:s0] =	ssyncadd.s32 @!p0 s1  }
0x10d: {  	[bflag:$0x3] =	sbarrier.arrive $0xFFFF  }
0x10e: {  	_ =	shalt  }

</sc_bundles>
